<compile_context>
chip_gen: v7x
topology: tpu7x:2x2x1
jax: 0.10.2.dev20260603
libtpu: 0.0.44.dev20260713+nightly
codegen_flags: <defaults>
</compile_context>

<pallas_src>
import functools

import jax
import jax.numpy as jnp
from jax import lax
from jax.experimental import pallas as pl
from jax.experimental.pallas import tpu as pltpu
from jax.experimental.pallas import tpu_sc as plsc

_WINDOW = 200
_NUM_CORES = 2
_NUM_SUBCORES = 16
_NW = _NUM_CORES * _NUM_SUBCORES
_LANES = 16
_BB = 128


@functools.partial(jax.jit, static_argnums=(2, 3, 4, 5))
def _sc_window_gather(tbl2, start, batch, b_per_w, phase, nphases):
    _, half_rows, lanes = tbl2.shape
    kchunks = _WINDOW * 64 // lanes // nphases
    mesh = plsc.VectorSubcoreMesh(
        core_axis_name="c",
        subcore_axis_name="s",
        num_cores=_NUM_CORES,
        num_subcores=_NUM_SUBCORES,
    )

    @functools.partial(
        pl.kernel,
        mesh=mesh,
        out_type=jax.ShapeDtypeStruct((kchunks, batch, lanes), jnp.float32),
        scratch_types=[
            pltpu.VMEM((b_per_w,), jnp.int32),
            pltpu.VMEM_SHARED((2, half_rows, lanes), jnp.float32),
            pltpu.SemaphoreType.DMA,
            pltpu.SemaphoreType.DMA,
        ],
        compiler_params=pltpu.CompilerParams(use_tc_tiling_on_sc=False),
    )
    def k(tbl_hbm, start_hbm, out_hbm, idx_v, tbl_sp, sem_idx, sem_out):
        sid = lax.axis_index("s")
        wid = sid * _NUM_CORES + lax.axis_index("c")
        base = wid * b_per_w
        idx_cp = pltpu.make_async_copy(
            start_hbm.at[pl.ds(base, b_per_w)], idx_v, sem_idx
        )
        idx_cp.start()

        @pl.when(sid == 0)
        def _():
            pltpu.make_async_copy(tbl_hbm, tbl_sp, sem_out).start()
            pltpu.make_async_copy(tbl_hbm, tbl_sp, sem_out).wait()

        idx_cp.wait()
        plsc.subcore_barrier()

        def fire(g, carry):
            vec = idx_v[pl.ds(g * _LANES, _LANES)]
            parity = lax.rem(vec, 2)
            row = lax.shift_right_logical(vec, 1) + phase * kchunks
            for lane in range(_LANES):
                pltpu.make_async_copy(
                    tbl_sp.at[parity[lane], pl.ds(row[lane], kchunks), :],
                    out_hbm.at[:, base + g * _LANES + lane, :],
                    sem_out,
                ).start()
            return carry

        lax.fori_loop(0, b_per_w // _LANES, fire, 0)

        def drain(b, carry):
            pltpu.make_async_copy(
                tbl_sp.at[0, pl.ds(0, kchunks), :],
                out_hbm.at[:, base + b, :],
                sem_out,
            ).wait()
            return carry

        lax.fori_loop(0, b_per_w, drain, 0)

    return k(tbl2, start)


@functools.partial(jax.jit, static_argnums=(2, 3, 4))
def _tc_transpose(m, prev, batch, phase, nphases):
    kchunks = m.shape[0]
    rows = kchunks * _BB * nphases

    def body(*refs):
        in_ref, out_ref = refs[-2], refs[-1]
        for k in range(kchunks):
            out_ref[k * _BB : (k + 1) * _BB, :] = in_ref[k].T

    m_spec = pl.BlockSpec((kchunks, _BB, _BB), lambda i: (0, i, 0))
    operands = (m,) if prev is None else (prev, m)
    in_specs = [m_spec] if prev is None else [
        pl.BlockSpec(memory_space=pl.ANY),
        m_spec,
    ]
    return pl.pallas_call(
        body,
        grid=(batch // _BB,),
        in_specs=in_specs,
        out_specs=pl.BlockSpec(
            (kchunks * _BB, _BB), lambda i, _p=phase: (_p, i)
        ),
        out_shape=jax.ShapeDtypeStruct((rows, batch), jnp.float32),
        input_output_aliases={} if prev is None else {0: 0},
    )(*operands)


def kernel(index, length, data):
    cycle_len, channels = data.shape
    batch = index.shape[0]
    start = jnp.asarray(
        (index.astype(jnp.int32) + (length - _WINDOW)) % cycle_len, jnp.int32
    )
    flat = jnp.concatenate([data, data[: _WINDOW + 1]], axis=0).reshape(-1)
    half_words = (cycle_len // 2 + _WINDOW // 2) * 2 * channels
    tbl2 = jnp.stack(
        [
            flat[:half_words].reshape(-1, 2 * channels),
            flat[channels : half_words + channels].reshape(-1, 2 * channels),
        ]
    )
    nphases = 2
    outT = None
    for phase in range(nphases):
        m = _sc_window_gather(tbl2, start, batch, batch // _NW, phase, nphases)
        outT = _tc_transpose(m, outT, batch, phase, nphases)
    return outT.reshape(_WINDOW, channels, batch).transpose(2, 0, 1)

# --- scband reference (transcript-rebuilt; emitter-appended) ---
"""Pipeline reference for scband-recurrent-cycle-10574209483023 (READ-ONLY COPY).

The authoritative reference and input builder live on the scoring server;
editing this copy changes nothing except your own understanding.
"""

import jax, jax.numpy as jnp
import numpy as np

CYCLE_LEN = 1000
CHANNEL_SIZE = 64
BATCH = 4096
LENGTH = 200


def setup_inputs(seed: int = 0) -> dict:
    key = jax.random.key(seed)
    k1, k2 = jax.random.split(key)
    index = jax.random.randint(k1, (BATCH,), 0, CYCLE_LEN, dtype=jnp.int64 if jax.config.jax_enable_x64 else jnp.int32)
    data = jax.random.normal(k2, (CYCLE_LEN, CHANNEL_SIZE), dtype=jnp.float32) * 0.02
    return {"index": index, "length": LENGTH, "data": data}


def reference(index, length, data):
    cycle_len = data.shape[0]
    offsets = jnp.arange(LENGTH) + (length - LENGTH)
    gather_index = (index.reshape(-1, 1) + offsets.reshape(1, -1)) % cycle_len
    return jnp.take(data, gather_index, axis=0)

if __name__ == "__main__":
    import jax
    _d = setup_inputs()
    print(jax.jit(kernel)(*tuple(_d.values())))

</pallas_src>

<mosaic_0001>
#map = affine_map<(d0, d1) -> (0, 0, 0)>
#map1 = affine_map<(d0, d1) -> (0)>
module attributes {stable_mosaic.version = 14 : i64} {
  func.func @k(%arg0: i32, %arg1: i32, %arg2: memref<2x600x128xf32, #tpu.memory_space<hbm>>, %arg3: memref<4096xi32, #tpu.memory_space<hbm>>, %arg4: memref<50x4096x128xf32, #tpu.memory_space<hbm>>, %arg5: memref<128xi32, #tpu.memory_space<vmem>>, %arg6: memref<2x600x128xf32, #tpu.memory_space<vmem_shared>>, %arg7: memref<!tpu.dma_semaphore, #tpu.memory_space<semaphore_mem>>, %arg8: memref<!tpu.dma_semaphore, #tpu.memory_space<semaphore_mem>>) attributes {dimension_semantics = [#tpu.dimension_semantics<core_parallel>, #tpu.dimension_semantics<subcore_parallel>], iteration_bounds = array<i64: 2, 16>, scalar_prefetch = 0 : i64, scratch_operands = 4 : i64, tpu.core_type = #tpu.core_type<sc_vector_subcore>, window_params = [{transform_indices = #map}, {transform_indices = #map1}, {transform_indices = #map}]} {
    %mul3A = arith.constant 2 : i32
    %mul3A_0 = arith.muli %arg1, %mul3A : i32
    %add3A = arith.addi %mul3A_0, %arg0 : i32
    %mul3A_1 = arith.constant 128 : i32
    %mul3A_2 = arith.muli %add3A, %mul3A_1 : i32
    %dma_start3A = tpu.memref_slice %arg3[%mul3A_2] : memref<4096xi32, #tpu.memory_space<hbm>> -> memref<128xi32, #tpu.memory_space<hbm>>
    %dma_start3A_3 = tpu.memref_slice %arg3[%mul3A_2] : memref<4096xi32, #tpu.memory_space<hbm>> -> memref<128xi32, #tpu.memory_space<hbm>>
    tpu.enqueue_dma source(%dma_start3A_3 : memref<128xi32, #tpu.memory_space<hbm>>) target(%arg5 : memref<128xi32, #tpu.memory_space<vmem>>) target_semaphore(%arg7 : memref<!tpu.dma_semaphore, #tpu.memory_space<semaphore_mem>>)
    %eq3A = arith.constant 0 : i32
    %eq3A_4 = arith.cmpi eq, %arg1, %eq3A : i32
    %convert_element_type3A = arith.extui %eq3A_4 : i1 to i32
    %cond3A = arith.constant 0 : i32
    %cond3A_5 = arith.cmpi ne, %convert_element_type3A, %cond3A : i32
    scf.if %cond3A_5 {
      tpu.enqueue_dma source(%arg2 : memref<2x600x128xf32, #tpu.memory_space<hbm>>) target(%arg6 : memref<2x600x128xf32, #tpu.memory_space<vmem_shared>>) target_semaphore(%arg8 : memref<!tpu.dma_semaphore, #tpu.memory_space<semaphore_mem>>)
      tpu.wait_dma2 semaphore(%arg8 : memref<!tpu.dma_semaphore, #tpu.memory_space<semaphore_mem>>) src(%arg2 : memref<2x600x128xf32, #tpu.memory_space<hbm>>) dst(%arg6 : memref<2x600x128xf32, #tpu.memory_space<vmem_shared>>)
    } else {
    }
    %dma_wait3A = tpu.memref_slice %arg3[%mul3A_2] : memref<4096xi32, #tpu.memory_space<hbm>> -> memref<128xi32, #tpu.memory_space<hbm>>
    %dma_wait3A_6 = tpu.memref_slice %arg3[%mul3A_2] : memref<4096xi32, #tpu.memory_space<hbm>> -> memref<128xi32, #tpu.memory_space<hbm>>
    tpu.wait_dma2 semaphore(%arg7 : memref<!tpu.dma_semaphore, #tpu.memory_space<semaphore_mem>>) src(%dma_wait3A_6 : memref<128xi32, #tpu.memory_space<hbm>>) dst(%arg5 : memref<128xi32, #tpu.memory_space<vmem>>)
    %barrier3A = arith.constant 0 : index
    tpu.barrier barrier_id(%barrier3A)
    %scan3A = arith.constant 0 : i32
    %scan3A_7 = arith.constant 0 : i32
    %scan3A_8 = arith.constant 8 : i32
    %scan3A_9 = arith.addi %scan3A_7, %scan3A_8 : i32
    %scan3A_10 = arith.constant 1 : i32
    scf.for %scan3A_18 = %scan3A_7 to %scan3A_9 step %scan3A_10  : i32 {
      %mul3A_19 = arith.constant 16 : i32
      %mul3A_20 = arith.muli %scan3A_18, %mul3A_19 : i32
      %get3A = arith.index_cast %mul3A_20 : i32 to index
      %get3A_21 = tpu.vector_load %arg5[%get3A] {strides = array<i32>} : memref<128xi32, #tpu.memory_space<vmem>>, vector<16xi32>,
      %get3A_22 = vector.shape_cast %get3A_21 : vector<16xi32> to vector<16xi32>
      %rem3A = arith.constant 2 : i32
      %rem3A_23 = vector.broadcast %rem3A : i32 to vector<16xi32>
      %rem3A_24 = arith.remsi %get3A_22, %rem3A_23 : vector<16xi32>
      %shift_right_logical3A = arith.constant 1 : i32
      %shift_right_logical3A_25 = vector.broadcast %shift_right_logical3A : i32 to vector<16xi32>
      %shift_right_logical3A_26 = arith.shrui %get3A_22, %shift_right_logical3A_25 : vector<16xi32>
      %add3A_27 = arith.constant 0 : i32
      %add3A_28 = vector.broadcast %add3A_27 : i32 to vector<16xi32>
      %add3A_29 = arith.addi %shift_right_logical3A_26, %add3A_28 : vector<16xi32>
      %slice3A = vector.extract_strided_slice %rem3A_24 {offsets = [0], sizes = [1], strides = [1]} : vector<16xi32> to vector<1xi32>
      %squeeze3A = vector.extract %slice3A[0] : i32 from vector<1xi32>
      %slice3A_30 = vector.extract_strided_slice %add3A_29 {offsets = [0], sizes = [1], strides = [1]} : vector<16xi32> to vector<1xi32>
      %squeeze3A_31 = vector.extract %slice3A_30[0] : i32 from vector<1xi32>
      %mul3A_32 = arith.constant 16 : i32
      %mul3A_33 = arith.muli %scan3A_18, %mul3A_32 : i32
      %add3A_34 = arith.addi %mul3A_2, %mul3A_33 : i32
      %add3A_35 = arith.constant 0 : i32
      %add3A_36 = arith.addi %add3A_34, %add3A_35 : i32
      %dma_start3A_37 = arith.constant 0 : i32
      %dma_start3A_38 = arith.constant 0 : i32
      %dma_start3A_39 = tpu.memref_slice %arg4[%dma_start3A_37, %add3A_36, %dma_start3A_38] : memref<50x4096x128xf32, #tpu.memory_space<hbm>> -> memref<50x1x128xf32, #tpu.memory_space<hbm>>
      %dma_start3A_40 = tpu.memref_squeeze %dma_start3A_39 : memref<50x1x128xf32, #tpu.memory_space<hbm>> -> memref<50x128xf32, #tpu.memory_space<hbm>>
      %dma_start3A_41 = arith.constant 0 : i32
      %dma_start3A_42 = tpu.memref_slice %arg6[%squeeze3A, %squeeze3A_31, %dma_start3A_41] : memref<2x600x128xf32, #tpu.memory_space<vmem_shared>> -> memref<1x50x128xf32, #tpu.memory_space<vmem_shared>>
      %dma_start3A_43 = tpu.memref_squeeze %dma_start3A_42 : memref<1x50x128xf32, #tpu.memory_space<vmem_shared>> -> memref<50x128xf32, #tpu.memory_space<vmem_shared>>
      tpu.enqueue_dma source(%dma_start3A_43 : memref<50x128xf32, #tpu.memory_space<vmem_shared>>) target(%dma_start3A_40 : memref<50x128xf32, #tpu.memory_space<hbm>>) target_semaphore(%arg8 : memref<!tpu.dma_semaphore, #tpu.memory_space<semaphore_mem>>)
      %slice3A_44 = vector.extract_strided_slice %rem3A_24 {offsets = [1], sizes = [1], strides = [1]} : vector<16xi32> to vector<1xi32>
      %squeeze3A_45 = vector.extract %slice3A_44[0] : i32 from vector<1xi32>
      %slice3A_46 = vector.extract_strided_slice %add3A_29 {offsets = [1], sizes = [1], strides = [1]} : vector<16xi32> to vector<1xi32>
      %squeeze3A_47 = vector.extract %slice3A_46[0] : i32 from vector<1xi32>
      %mul3A_48 = arith.constant 16 : i32
      %mul3A_49 = arith.muli %scan3A_18, %mul3A_48 : i32
      %add3A_50 = arith.addi %mul3A_2, %mul3A_49 : i32
      %add3A_51 = arith.constant 1 : i32
      %add3A_52 = arith.addi %add3A_50, %add3A_51 : i32
      %dma_start3A_53 = arith.constant 0 : i32
      %dma_start3A_54 = arith.constant 0 : i32
      %dma_start3A_55 = tpu.memref_slice %arg4[%dma_start3A_53, %add3A_52, %dma_start3A_54] : memref<50x4096x128xf32, #tpu.memory_space<hbm>> -> memref<50x1x128xf32, #tpu.memory_space<hbm>>
      %dma_start3A_56 = tpu.memref_squeeze %dma_start3A_55 : memref<50x1x128xf32, #tpu.memory_space<hbm>> -> memref<50x128xf32, #tpu.memory_space<hbm>>
      %dma_start3A_57 = arith.constant 0 : i32
      %dma_start3A_58 = tpu.memref_slice %arg6[%squeeze3A_45, %squeeze3A_47, %dma_start3A_57] : memref<2x600x128xf32, #tpu.memory_space<vmem_shared>> -> memref<1x50x128xf32, #tpu.memory_space<vmem_shared>>
      %dma_start3A_59 = tpu.memref_squeeze %dma_start3A_58 : memref<1x50x128xf32, #tpu.memory_space<vmem_shared>> -> memref<50x128xf32, #tpu.memory_space<vmem_shared>>
      tpu.enqueue_dma source(%dma_start3A_59 : memref<50x128xf32, #tpu.memory_space<vmem_shared>>) target(%dma_start3A_56 : memref<50x128xf32, #tpu.memory_space<hbm>>) target_semaphore(%arg8 : memref<!tpu.dma_semaphore, #tpu.memory_space<semaphore_mem>>)
      %slice3A_60 = vector.extract_strided_slice %rem3A_24 {offsets = [2], sizes = [1], strides = [1]} : vector<16xi32> to vector<1xi32>
      %squeeze3A_61 = vector.extract %slice3A_60[0] : i32 from vector<1xi32>
      %slice3A_62 = vector.extract_strided_slice %add3A_29 {offsets = [2], sizes = [1], strides = [1]} : vector<16xi32> to vector<1xi32>
      %squeeze3A_63 = vector.extract %slice3A_62[0] : i32 from vector<1xi32>
      %mul3A_64 = arith.constant 16 : i32
      %mul3A_65 = arith.muli %scan3A_18, %mul3A_64 : i32
      %add3A_66 = arith.addi %mul3A_2, %mul3A_65 : i32
      %add3A_67 = arith.constant 2 : i32
      %add3A_68 = arith.addi %add3A_66, %add3A_67 : i32
      %dma_start3A_69 = arith.constant 0 : i32
      %dma_start3A_70 = arith.constant 0 : i32
      %dma_start3A_71 = tpu.memref_slice %arg4[%dma_start3A_69, %add3A_68, %dma_start3A_70] : memref<50x4096x128xf32, #tpu.memory_space<hbm>> -> memref<50x1x128xf32, #tpu.memory_space<hbm>>
      %dma_start3A_72 = tpu.memref_squeeze %dma_start3A_71 : memref<50x1x128xf32, #tpu.memory_space<hbm>> -> memref<50x128xf32, #tpu.memory_space<hbm>>
      %dma_start3A_73 = arith.constant 0 : i32
      %dma_start3A_74 = tpu.memref_slice %arg6[%squeeze3A_61, %squeeze3A_63, %dma_start3A_73] : memref<2x600x128xf32, #tpu.memory_space<vmem_shared>> -> memref<1x50x128xf32, #tpu.memory_space<vmem_shared>>
      %dma_start3A_75 = tpu.memref_squeeze %dma_start3A_74 : memref<1x50x128xf32, #tpu.memory_space<vmem_shared>> -> memref<50x128xf32, #tpu.memory_space<vmem_shared>>
      tpu.enqueue_dma source(%dma_start3A_75 : memref<50x128xf32, #tpu.memory_space<vmem_shared>>) target(%dma_start3A_72 : memref<50x128xf32, #tpu.memory_space<hbm>>) target_semaphore(%arg8 : memref<!tpu.dma_semaphore, #tpu.memory_space<semaphore_mem>>)
      %slice3A_76 = vector.extract_strided_slice %rem3A_24 {offsets = [3], sizes = [1], strides = [1]} : vector<16xi32> to vector<1xi32>
      %squeeze3A_77 = vector.extract %slice3A_76[0] : i32 from vector<1xi32>
      %slice3A_78 = vector.extract_strided_slice %add3A_29 {offsets = [3], sizes = [1], strides = [1]} : vector<16xi32> to vector<1xi32>
      %squeeze3A_79 = vector.extract %slice3A_78[0] : i32 from vector<1xi32>
      %mul3A_80 = arith.constant 16 : i32
      %mul3A_81 = arith.muli %scan3A_18, %mul3A_80 : i32
      %add3A_82 = arith.addi %mul3A_2, %mul3A_81 : i32
      %add3A_83 = arith.constant 3 : i32
      %add3A_84 = arith.addi %add3A_82, %add3A_83 : i32
      %dma_start3A_85 = arith.constant 0 : i32
      %dma_start3A_86 = arith.constant 0 : i32
      %dma_start3A_87 = tpu.memref_slice %arg4[%dma_start3A_85, %add3A_84, %dma_start3A_86] : memref<50x4096x128xf32, #tpu.memory_space<hbm>> -> memref<50x1x128xf32, #tpu.memory_space<hbm>>
      %dma_start3A_88 = tpu.memref_squeeze %dma_start3A_87 : memref<50x1x128xf32, #tpu.memory_space<hbm>> -> memref<50x128xf32, #tpu.memory_space<hbm>>
      %dma_start3A_89 = arith.constant 0 : i32
      %dma_start3A_90 = tpu.memref_slice %arg6[%squeeze3A_77, %squeeze3A_79, %dma_start3A_89] : memref<2x600x128xf32, #tpu.memory_space<vmem_shared>> -> memref<1x50x128xf32, #tpu.memory_space<vmem_shared>>
      %dma_start3A_91 = tpu.memref_squeeze %dma_start3A_90 : memref<1x50x128xf32, #tpu.memory_space<vmem_shared>> -> memref<50x128xf32, #tpu.memory_space<vmem_shared>>
      tpu.enqueue_dma source(%dma_start3A_91 : memref<50x128xf32, #tpu.memory_space<vmem_shared>>) target(%dma_start3A_88 : memref<50x128xf32, #tpu.memory_space<hbm>>) target_semaphore(%arg8 : memref<!tpu.dma_semaphore, #tpu.memory_space<semaphore_mem>>)
      %slice3A_92 = vector.extract_strided_slice %rem3A_24 {offsets = [4], sizes = [1], strides = [1]} : vector<16xi32> to vector<1xi32>
      %squeeze3A_93 = vector.extract %slice3A_92[0] : i32 from vector<1xi32>
      %slice3A_94 = vector.extract_strided_slice %add3A_29 {offsets = [4], sizes = [1], strides = [1]} : vector<16xi32> to vector<1xi32>
      %squeeze3A_95 = vector.extract %slice3A_94[0] : i32 from vector<1xi32>
      %mul3A_96 = arith.constant 16 : i32
      %mul3A_97 = arith.muli %scan3A_18, %mul3A_96 : i32
      %add3A_98 = arith.addi %mul3A_2, %mul3A_97 : i32
      %add3A_99 = arith.constant 4 : i32
      %add3A_100 = arith.addi %add3A_98, %add3A_99 : i32
      %dma_start3A_101 = arith.constant 0 : i32
      %dma_start3A_102 = arith.constant 0 : i32
      %dma_start3A_103 = tpu.memref_slice %arg4[%dma_start3A_101, %add3A_100, %dma_start3A_102] : memref<50x4096x128xf32, #tpu.memory_space<hbm>> -> memref<50x1x128xf32, #tpu.memory_space<hbm>>
      %dma_start3A_104 = tpu.memref_squeeze %dma_start3A_103 : memref<50x1x128xf32, #tpu.memory_space<hbm>> -> memref<50x128xf32, #tpu.memory_space<hbm>>
      %dma_start3A_105 = arith.constant 0 : i32
      %dma_start3A_106 = tpu.memref_slice %arg6[%squeeze3A_93, %squeeze3A_95, %dma_start3A_105] : memref<2x600x128xf32, #tpu.memory_space<vmem_shared>> -> memref<1x50x128xf32, #tpu.memory_space<vmem_shared>>
      %dma_start3A_107 = tpu.memref_squeeze %dma_start3A_106 : memref<1x50x128xf32, #tpu.memory_space<vmem_shared>> -> memref<50x128xf32, #tpu.memory_space<vmem_shared>>
      tpu.enqueue_dma source(%dma_start3A_107 : memref<50x128xf32, #tpu.memory_space<vmem_shared>>) target(%dma_start3A_104 : memref<50x128xf32, #tpu.memory_space<hbm>>) target_semaphore(%arg8 : memref<!tpu.dma_semaphore, #tpu.memory_space<semaphore_mem>>)
      %slice3A_108 = vector.extract_strided_slice %rem3A_24 {offsets = [5], sizes = [1], strides = [1]} : vector<16xi32> to vector<1xi32>
      %squeeze3A_109 = vector.extract %slice3A_108[0] : i32 from vector<1xi32>
      %slice3A_110 = vector.extract_strided_slice %add3A_29 {offsets = [5], sizes = [1], strides = [1]} : vector<16xi32> to vector<1xi32>
      %squeeze3A_111 = vector.extract %slice3A_110[0] : i32 from vector<1xi32>
      %mul3A_112 = arith.constant 16 : i32
      %mul3A_113 = arith.muli %scan3A_18, %mul3A_112 : i32
      %add3A_114 = arith.addi %mul3A_2, %mul3A_113 : i32
      %add3A_115 = arith.constant 5 : i32
      %add3A_116 = arith.addi %add3A_114, %add3A_115 : i32
      %dma_start3A_117 = arith.constant 0 : i32
      %dma_start3A_118 = arith.constant 0 : i32
      %dma_start3A_119 = tpu.memref_slice %arg4[%dma_start3A_117, %add3A_116, %dma_start3A_118] : memref<50x4096x128xf32, #tpu.memory_space<hbm>> -> memref<50x1x128xf32, #tpu.memory_space<hbm>>
      %dma_start3A_120 = tpu.memref_squeeze %dma_start3A_119 : memref<50x1x128xf32, #tpu.memory_space<hbm>> -> memref<50x128xf32, #tpu.memory_space<hbm>>
      %dma_start3A_121 = arith.constant 0 : i32
      %dma_start3A_122 = tpu.memref_slice %arg6[%squeeze3A_109, %squeeze3A_111, %dma_start3A_121] : memref<2x600x128xf32, #tpu.memory_space<vmem_shared>> -> memref<1x50x128xf32, #tpu.memory_space<vmem_shared>>
      %dma_start3A_123 = tpu.memref_squeeze %dma_start3A_122 : memref<1x50x128xf32, #tpu.memory_space<vmem_shared>> -> memref<50x128xf32, #tpu.memory_space<vmem_shared>>
      tpu.enqueue_dma source(%dma_start3A_123 : memref<50x128xf32, #tpu.memory_space<vmem_shared>>) target(%dma_start3A_120 : memref<50x128xf32, #tpu.memory_space<hbm>>) target_semaphore(%arg8 : memref<!tpu.dma_semaphore, #tpu.memory_space<semaphore_mem>>)
      %slice3A_124 = vector.extract_strided_slice %rem3A_24 {offsets = [6], sizes = [1], strides = [1]} : vector<16xi32> to vector<1xi32>
      %squeeze3A_125 = vector.extract %slice3A_124[0] : i32 from vector<1xi32>
      %slice3A_126 = vector.extract_strided_slice %add3A_29 {offsets = [6], sizes = [1], strides = [1]} : vector<16xi32> to vector<1xi32>
      %squeeze3A_127 = vector.extract %slice3A_126[0] : i32 from vector<1xi32>
      %mul3A_128 = arith.constant 16 : i32
      %mul3A_129 = arith.muli %scan3A_18, %mul3A_128 : i32
      %add3A_130 = arith.addi %mul3A_2, %mul3A_129 : i32
      %add3A_131 = arith.constant 6 : i32
      %add3A_132 = arith.addi %add3A_130, %add3A_131 : i32
      %dma_start3A_133 = arith.constant 0 : i32
      %dma_start3A_134 = arith.constant 0 : i32
      %dma_start3A_135 = tpu.memref_slice %arg4[%dma_start3A_133, %add3A_132, %dma_start3A_134] : memref<50x4096x128xf32, #tpu.memory_space<hbm>> -> memref<50x1x128xf32, #tpu.memory_space<hbm>>
      %dma_start3A_136 = tpu.memref_squeeze %dma_start3A_135 : memref<50x1x128xf32, #tpu.memory_space<hbm>> -> memref<50x128xf32, #tpu.memory_space<hbm>>
      %dma_start3A_137 = arith.constant 0 : i32
      %dma_start3A_138 = tpu.memref_slice %arg6[%squeeze3A_125, %squeeze3A_127, %dma_start3A_137] : memref<2x600x128xf32, #tpu.memory_space<vmem_shared>> -> memref<1x50x128xf32, #tpu.memory_space<vmem_shared>>
      %dma_start3A_139 = tpu.memref_squeeze %dma_start3A_138 : memref<1x50x128xf32, #tpu.memory_space<vmem_shared>> -> memref<50x128xf32, #tpu.memory_space<vmem_shared>>
      tpu.enqueue_dma source(%dma_start3A_139 : memref<50x128xf32, #tpu.memory_space<vmem_shared>>) target(%dma_start3A_136 : memref<50x128xf32, #tpu.memory_space<hbm>>) target_semaphore(%arg8 : memref<!tpu.dma_semaphore, #tpu.memory_space<semaphore_mem>>)
      %slice3A_140 = vector.extract_strided_slice %rem3A_24 {offsets = [7], sizes = [1], strides = [1]} : vector<16xi32> to vector<1xi32>
      %squeeze3A_141 = vector.extract %slice3A_140[0] : i32 from vector<1xi32>
      %slice3A_142 = vector.extract_strided_slice %add3A_29 {offsets = [7], sizes = [1], strides = [1]} : vector<16xi32> to vector<1xi32>
      %squeeze3A_143 = vector.extract %slice3A_142[0] : i32 from vector<1xi32>
      %mul3A_144 = arith.constant 16 : i32
      %mul3A_145 = arith.muli %scan3A_18, %mul3A_144 : i32
      %add3A_146 = arith.addi %mul3A_2, %mul3A_145 : i32
      %add3A_147 = arith.constant 7 : i32
      %add3A_148 = arith.addi %add3A_146, %add3A_147 : i32
      %dma_start3A_149 = arith.constant 0 : i32
      %dma_start3A_150 = arith.constant 0 : i32
      %dma_start3A_151 = tpu.memref_slice %arg4[%dma_start3A_149, %add3A_148, %dma_start3A_150] : memref<50x4096x128xf32, #tpu.memory_space<hbm>> -> memref<50x1x128xf32, #tpu.memory_space<hbm>>
      %dma_start3A_152 = tpu.memref_squeeze %dma_start3A_151 : memref<50x1x128xf32, #tpu.memory_space<hbm>> -> memref<50x128xf32, #tpu.memory_space<hbm>>
      %dma_start3A_153 = arith.constant 0 : i32
      %dma_start3A_154 = tpu.memref_slice %arg6[%squeeze3A_141, %squeeze3A_143, %dma_start3A_153] : memref<2x600x128xf32, #tpu.memory_space<vmem_shared>> -> memref<1x50x128xf32, #tpu.memory_space<vmem_shared>>
      %dma_start3A_155 = tpu.memref_squeeze %dma_start3A_154 : memref<1x50x128xf32, #tpu.memory_space<vmem_shared>> -> memref<50x128xf32, #tpu.memory_space<vmem_shared>>
      tpu.enqueue_dma source(%dma_start3A_155 : memref<50x128xf32, #tpu.memory_space<vmem_shared>>) target(%dma_start3A_152 : memref<50x128xf32, #tpu.memory_space<hbm>>) target_semaphore(%arg8 : memref<!tpu.dma_semaphore, #tpu.memory_space<semaphore_mem>>)
      %slice3A_156 = vector.extract_strided_slice %rem3A_24 {offsets = [8], sizes = [1], strides = [1]} : vector<16xi32> to vector<1xi32>
      %squeeze3A_157 = vector.extract %slice3A_156[0] : i32 from vector<1xi32>
      %slice3A_158 = vector.extract_strided_slice %add3A_29 {offsets = [8], sizes = [1], strides = [1]} : vector<16xi32> to vector<1xi32>
      %squeeze3A_159 = vector.extract %slice3A_158[0] : i32 from vector<1xi32>
      %mul3A_160 = arith.constant 16 : i32
      %mul3A_161 = arith.muli %scan3A_18, %mul3A_160 : i32
      %add3A_162 = arith.addi %mul3A_2, %mul3A_161 : i32
      %add3A_163 = arith.constant 8 : i32
      %add3A_164 = arith.addi %add3A_162, %add3A_163 : i32
      %dma_start3A_165 = arith.constant 0 : i32
      %dma_start3A_166 = arith.constant 0 : i32
      %dma_start3A_167 = tpu.memref_slice %arg4[%dma_start3A_165, %add3A_164, %dma_start3A_166] : memref<50x4096x128xf32, #tpu.memory_space<hbm>> -> memref<50x1x128xf32, #tpu.memory_space<hbm>>
      %dma_start3A_168 = tpu.memref_squeeze %dma_start3A_167 : memref<50x1x128xf32, #tpu.memory_space<hbm>> -> memref<50x128xf32, #tpu.memory_space<hbm>>
      %dma_start3A_169 = arith.constant 0 : i32
      %dma_start3A_170 = tpu.memref_slice %arg6[%squeeze3A_157, %squeeze3A_159, %dma_start3A_169] : memref<2x600x128xf32, #tpu.memory_space<vmem_shared>> -> memref<1x50x128xf32, #tpu.memory_space<vmem_shared>>
      %dma_start3A_171 = tpu.memref_squeeze %dma_start3A_170 : memref<1x50x128xf32, #tpu.memory_space<vmem_shared>> -> memref<50x128xf32, #tpu.memory_space<vmem_shared>>
      tpu.enqueue_dma source(%dma_start3A_171 : memref<50x128xf32, #tpu.memory_space<vmem_shared>>) target(%dma_start3A_168 : memref<50x128xf32, #tpu.memory_space<hbm>>) target_semaphore(%arg8 : memref<!tpu.dma_semaphore, #tpu.memory_space<semaphore_mem>>)
      %slice3A_172 = vector.extract_strided_slice %rem3A_24 {offsets = [9], sizes = [1], strides = [1]} : vector<16xi32> to vector<1xi32>
      %squeeze3A_173 = vector.extract %slice3A_172[0] : i32 from vector<1xi32>
      %slice3A_174 = vector.extract_strided_slice %add3A_29 {offsets = [9], sizes = [1], strides = [1]} : vector<16xi32> to vector<1xi32>
      %squeeze3A_175 = vector.extract %slice3A_174[0] : i32 from vector<1xi32>
      %mul3A_176 = arith.constant 16 : i32
      %mul3A_177 = arith.muli %scan3A_18, %mul3A_176 : i32
      %add3A_178 = arith.addi %mul3A_2, %mul3A_177 : i32
      %add3A_179 = arith.constant 9 : i32
      %add3A_180 = arith.addi %add3A_178, %add3A_179 : i32
      %dma_start3A_181 = arith.constant 0 : i32
      %dma_start3A_182 = arith.constant 0 : i32
      %dma_start3A_183 = tpu.memref_slice %arg4[%dma_start3A_181, %add3A_180, %dma_start3A_182] : memref<50x4096x128xf32, #tpu.memory_space<hbm>> -> memref<50x1x128xf32, #tpu.memory_space<hbm>>
      %dma_start3A_184 = tpu.memref_squeeze %dma_start3A_183 : memref<50x1x128xf32, #tpu.memory_space<hbm>> -> memref<50x128xf32, #tpu.memory_space<hbm>>
      %dma_start3A_185 = arith.constant 0 : i32
      %dma_start3A_186 = tpu.memref_slice %arg6[%squeeze3A_173, %squeeze3A_175, %dma_start3A_185] : memref<2x600x128xf32, #tpu.memory_space<vmem_shared>> -> memref<1x50x128xf32, #tpu.memory_space<vmem_shared>>
      %dma_start3A_187 = tpu.memref_squeeze %dma_start3A_186 : memref<1x50x128xf32, #tpu.memory_space<vmem_shared>> -> memref<50x128xf32, #tpu.memory_space<vmem_shared>>
      tpu.enqueue_dma source(%dma_start3A_187 : memref<50x128xf32, #tpu.memory_space<vmem_shared>>) target(%dma_start3A_184 : memref<50x128xf32, #tpu.memory_space<hbm>>) target_semaphore(%arg8 : memref<!tpu.dma_semaphore, #tpu.memory_space<semaphore_mem>>)
      %slice3A_188 = vector.extract_strided_slice %rem3A_24 {offsets = [10], sizes = [1], strides = [1]} : vector<16xi32> to vector<1xi32>
      %squeeze3A_189 = vector.extract %slice3A_188[0] : i32 from vector<1xi32>
      %slice3A_190 = vector.extract_strided_slice %add3A_29 {offsets = [10], sizes = [1], strides = [1]} : vector<16xi32> to vector<1xi32>
      %squeeze3A_191 = vector.extract %slice3A_190[0] : i32 from vector<1xi32>
      %mul3A_192 = arith.constant 16 : i32
      %mul3A_193 = arith.muli %scan3A_18, %mul3A_192 : i32
      %add3A_194 = arith.addi %mul3A_2, %mul3A_193 : i32
      %add3A_195 = arith.constant 10 : i32
      %add3A_196 = arith.addi %add3A_194, %add3A_195 : i32
      %dma_start3A_197 = arith.constant 0 : i32
      %dma_start3A_198 = arith.constant 0 : i32
      %dma_start3A_199 = tpu.memref_slice %arg4[%dma_start3A_197, %add3A_196, %dma_start3A_198] : memref<50x4096x128xf32, #tpu.memory_space<hbm>> -> memref<50x1x128xf32, #tpu.memory_space<hbm>>
      %dma_start3A_200 = tpu.memref_squeeze %dma_start3A_199 : memref<50x1x128xf32, #tpu.memory_space<hbm>> -> memref<50x128xf32, #tpu.memory_space<hbm>>
      %dma_start3A_201 = arith.constant 0 : i32
      %dma_start3A_202 = tpu.memref_slice %arg6[%squeeze3A_189, %squeeze3A_191, %dma_start3A_201] : memref<2x600x128xf32, #tpu.memory_space<vmem_shared>> -> memref<1x50x128xf32, #tpu.memory_space<vmem_shared>>
      %dma_start3A_203 = tpu.memref_squeeze %dma_start3A_202 : memref<1x50x128xf32, #tpu.memory_space<vmem_shared>> -> memref<50x128xf32, #tpu.memory_space<vmem_shared>>
      tpu.enqueue_dma source(%dma_start3A_203 : memref<50x128xf32, #tpu.memory_space<vmem_shared>>) target(%dma_start3A_200 : memref<50x128xf32, #tpu.memory_space<hbm>>) target_semaphore(%arg8 : memref<!tpu.dma_semaphore, #tpu.memory_space<semaphore_mem>>)
      %slice3A_204 = vector.extract_strided_slice %rem3A_24 {offsets = [11], sizes = [1], strides = [1]} : vector<16xi32> to vector<1xi32>
      %squeeze3A_205 = vector.extract %slice3A_204[0] : i32 from vector<1xi32>
      %slice3A_206 = vector.extract_strided_slice %add3A_29 {offsets = [11], sizes = [1], strides = [1]} : vector<16xi32> to vector<1xi32>
      %squeeze3A_207 = vector.extract %slice3A_206[0] : i32 from vector<1xi32>
      %mul3A_208 = arith.constant 16 : i32
      %mul3A_209 = arith.muli %scan3A_18, %mul3A_208 : i32
      %add3A_210 = arith.addi %mul3A_2, %mul3A_209 : i32
      %add3A_211 = arith.constant 11 : i32
      %add3A_212 = arith.addi %add3A_210, %add3A_211 : i32
      %dma_start3A_213 = arith.constant 0 : i32
      %dma_start3A_214 = arith.constant 0 : i32
      %dma_start3A_215 = tpu.memref_slice %arg4[%dma_start3A_213, %add3A_212, %dma_start3A_214] : memref<50x4096x128xf32, #tpu.memory_space<hbm>> -> memref<50x1x128xf32, #tpu.memory_space<hbm>>
      %dma_start3A_216 = tpu.memref_squeeze %dma_start3A_215 : memref<50x1x128xf32, #tpu.memory_space<hbm>> -> memref<50x128xf32, #tpu.memory_space<hbm>>
      %dma_start3A_217 = arith.constant 0 : i32
      %dma_start3A_218 = tpu.memref_slice %arg6[%squeeze3A_205, %squeeze3A_207, %dma_start3A_217] : memref<2x600x128xf32, #tpu.memory_space<vmem_shared>> -> memref<1x50x128xf32, #tpu.memory_space<vmem_shared>>
      %dma_start3A_219 = tpu.memref_squeeze %dma_start3A_218 : memref<1x50x128xf32, #tpu.memory_space<vmem_shared>> -> memref<50x128xf32, #tpu.memory_space<vmem_shared>>
      tpu.enqueue_dma source(%dma_start3A_219 : memref<50x128xf32, #tpu.memory_space<vmem_shared>>) target(%dma_start3A_216 : memref<50x128xf32, #tpu.memory_space<hbm>>) target_semaphore(%arg8 : memref<!tpu.dma_semaphore, #tpu.memory_space<semaphore_mem>>)
      %slice3A_220 = vector.extract_strided_slice %rem3A_24 {offsets = [12], sizes = [1], strides = [1]} : vector<16xi32> to vector<1xi32>
      %squeeze3A_221 = vector.extract %slice3A_220[0] : i32 from vector<1xi32>
      %slice3A_222 = vector.extract_strided_slice %add3A_29 {offsets = [12], sizes = [1], strides = [1]} : vector<16xi32> to vector<1xi32>
      %squeeze3A_223 = vector.extract %slice3A_222[0] : i32 from vector<1xi32>
      %mul3A_224 = arith.constant 16 : i32
      %mul3A_225 = arith.muli %scan3A_18, %mul3A_224 : i32
      %add3A_226 = arith.addi %mul3A_2, %mul3A_225 : i32
      %add3A_227 = arith.constant 12 : i32
      %add3A_228 = arith.addi %add3A_226, %add3A_227 : i32
      %dma_start3A_229 = arith.constant 0 : i32
      %dma_start3A_230 = arith.constant 0 : i32
      %dma_start3A_231 = tpu.memref_slice %arg4[%dma_start3A_229, %add3A_228, %dma_start3A_230] : memref<50x4096x128xf32, #tpu.memory_space<hbm>> -> memref<50x1x128xf32, #tpu.memory_space<hbm>>
      %dma_start3A_232 = tpu.memref_squeeze %dma_start3A_231 : memref<50x1x128xf32, #tpu.memory_space<hbm>> -> memref<50x128xf32, #tpu.memory_space<hbm>>
      %dma_start3A_233 = arith.constant 0 : i32
      %dma_start3A_234 = tpu.memref_slice %arg6[%squeeze3A_221, %squeeze3A_223, %dma_start3A_233] : memref<2x600x128xf32, #tpu.memory_space<vmem_shared>> -> memref<1x50x128xf32, #tpu.memory_space<vmem_shared>>
      %dma_start3A_235 = tpu.memref_squeeze %dma_start3A_234 : memref<1x50x128xf32, #tpu.memory_space<vmem_shared>> -> memref<50x128xf32, #tpu.memory_space<vmem_shared>>
      tpu.enqueue_dma source(%dma_start3A_235 : memref<50x128xf32, #tpu.memory_space<vmem_shared>>) target(%dma_start3A_232 : memref<50x128xf32, #tpu.memory_space<hbm>>) target_semaphore(%arg8 : memref<!tpu.dma_semaphore, #tpu.memory_space<semaphore_mem>>)
      %slice3A_236 = vector.extract_strided_slice %rem3A_24 {offsets = [13], sizes = [1], strides = [1]} : vector<16xi32> to vector<1xi32>
      %squeeze3A_237 = vector.extract %slice3A_236[0] : i32 from vector<1xi32>
      %slice3A_238 = vector.extract_strided_slice %add3A_29 {offsets = [13], sizes = [1], strides = [1]} : vector<16xi32> to vector<1xi32>
      %squeeze3A_239 = vector.extract %slice3A_238[0] : i32 from vector<1xi32>
      %mul3A_240 = arith.constant 16 : i32
      %mul3A_241 = arith.muli %scan3A_18, %mul3A_240 : i32
      %add3A_242 = arith.addi %mul3A_2, %mul3A_241 : i32
      %add3A_243 = arith.constant 13 : i32
      %add3A_244 = arith.addi %add3A_242, %add3A_243 : i32
      %dma_start3A_245 = arith.constant 0 : i32
      %dma_start3A_246 = arith.constant 0 : i32
      %dma_start3A_247 = tpu.memref_slice %arg4[%dma_start3A_245, %add3A_244, %dma_start3A_246] : memref<50x4096x128xf32, #tpu.memory_space<hbm>> -> memref<50x1x128xf32, #tpu.memory_space<hbm>>
      %dma_start3A_248 = tpu.memref_squeeze %dma_start3A_247 : memref<50x1x128xf32, #tpu.memory_space<hbm>> -> memref<50x128xf32, #tpu.memory_space<hbm>>
      %dma_start3A_249 = arith.constant 0 : i32
      %dma_start3A_250 = tpu.memref_slice %arg6[%squeeze3A_237, %squeeze3A_239, %dma_start3A_249] : memref<2x600x128xf32, #tpu.memory_space<vmem_shared>> -> memref<1x50x128xf32, #tpu.memory_space<vmem_shared>>
      %dma_start3A_251 = tpu.memref_squeeze %dma_start3A_250 : memref<1x50x128xf32, #tpu.memory_space<vmem_shared>> -> memref<50x128xf32, #tpu.memory_space<vmem_shared>>
      tpu.enqueue_dma source(%dma_start3A_251 : memref<50x128xf32, #tpu.memory_space<vmem_shared>>) target(%dma_start3A_248 : memref<50x128xf32, #tpu.memory_space<hbm>>) target_semaphore(%arg8 : memref<!tpu.dma_semaphore, #tpu.memory_space<semaphore_mem>>)
      %slice3A_252 = vector.extract_strided_slice %rem3A_24 {offsets = [14], sizes = [1], strides = [1]} : vector<16xi32> to vector<1xi32>
      %squeeze3A_253 = vector.extract %slice3A_252[0] : i32 from vector<1xi32>
      %slice3A_254 = vector.extract_strided_slice %add3A_29 {offsets = [14], sizes = [1], strides = [1]} : vector<16xi32> to vector<1xi32>
      %squeeze3A_255 = vector.extract %slice3A_254[0] : i32 from vector<1xi32>
      %mul3A_256 = arith.constant 16 : i32
      %mul3A_257 = arith.muli %scan3A_18, %mul3A_256 : i32
      %add3A_258 = arith.addi %mul3A_2, %mul3A_257 : i32
      %add3A_259 = arith.constant 14 : i32
      %add3A_260 = arith.addi %add3A_258, %add3A_259 : i32
      %dma_start3A_261 = arith.constant 0 : i32
      %dma_start3A_262 = arith.constant 0 : i32
      %dma_start3A_263 = tpu.memref_slice %arg4[%dma_start3A_261, %add3A_260, %dma_start3A_262] : memref<50x4096x128xf32, #tpu.memory_space<hbm>> -> memref<50x1x128xf32, #tpu.memory_space<hbm>>
      %dma_start3A_264 = tpu.memref_squeeze %dma_start3A_263 : memref<50x1x128xf32, #tpu.memory_space<hbm>> -> memref<50x128xf32, #tpu.memory_space<hbm>>
      %dma_start3A_265 = arith.constant 0 : i32
      %dma_start3A_266 = tpu.memref_slice %arg6[%squeeze3A_253, %squeeze3A_255, %dma_start3A_265] : memref<2x600x128xf32, #tpu.memory_space<vmem_shared>> -> memref<1x50x128xf32, #tpu.memory_space<vmem_shared>>
      %dma_start3A_267 = tpu.memref_squeeze %dma_start3A_266 : memref<1x50x128xf32, #tpu.memory_space<vmem_shared>> -> memref<50x128xf32, #tpu.memory_space<vmem_shared>>
      tpu.enqueue_dma source(%dma_start3A_267 : memref<50x128xf32, #tpu.memory_space<vmem_shared>>) target(%dma_start3A_264 : memref<50x128xf32, #tpu.memory_space<hbm>>) target_semaphore(%arg8 : memref<!tpu.dma_semaphore, #tpu.memory_space<semaphore_mem>>)
      %slice3A_268 = vector.extract_strided_slice %rem3A_24 {offsets = [15], sizes = [1], strides = [1]} : vector<16xi32> to vector<1xi32>
      %squeeze3A_269 = vector.extract %slice3A_268[0] : i32 from vector<1xi32>
      %slice3A_270 = vector.extract_strided_slice %add3A_29 {offsets = [15], sizes = [1], strides = [1]} : vector<16xi32> to vector<1xi32>
      %squeeze3A_271 = vector.extract %slice3A_270[0] : i32 from vector<1xi32>
      %mul3A_272 = arith.constant 16 : i32
      %mul3A_273 = arith.muli %scan3A_18, %mul3A_272 : i32
      %add3A_274 = arith.addi %mul3A_2, %mul3A_273 : i32
      %add3A_275 = arith.constant 15 : i32
      %add3A_276 = arith.addi %add3A_274, %add3A_275 : i32
      %dma_start3A_277 = arith.constant 0 : i32
      %dma_start3A_278 = arith.constant 0 : i32
      %dma_start3A_279 = tpu.memref_slice %arg4[%dma_start3A_277, %add3A_276, %dma_start3A_278] : memref<50x4096x128xf32, #tpu.memory_space<hbm>> -> memref<50x1x128xf32, #tpu.memory_space<hbm>>
      %dma_start3A_280 = tpu.memref_squeeze %dma_start3A_279 : memref<50x1x128xf32, #tpu.memory_space<hbm>> -> memref<50x128xf32, #tpu.memory_space<hbm>>
      %dma_start3A_281 = arith.constant 0 : i32
      %dma_start3A_282 = tpu.memref_slice %arg6[%squeeze3A_269, %squeeze3A_271, %dma_start3A_281] : memref<2x600x128xf32, #tpu.memory_space<vmem_shared>> -> memref<1x50x128xf32, #tpu.memory_space<vmem_shared>>
      %dma_start3A_283 = tpu.memref_squeeze %dma_start3A_282 : memref<1x50x128xf32, #tpu.memory_space<vmem_shared>> -> memref<50x128xf32, #tpu.memory_space<vmem_shared>>
      tpu.enqueue_dma source(%dma_start3A_283 : memref<50x128xf32, #tpu.memory_space<vmem_shared>>) target(%dma_start3A_280 : memref<50x128xf32, #tpu.memory_space<hbm>>) target_semaphore(%arg8 : memref<!tpu.dma_semaphore, #tpu.memory_space<semaphore_mem>>)
    }
    %scan3A_11 = arith.constant 8 : i32
    %scan3A_12 = arith.constant 0 : i32
    %scan3A_13 = arith.constant 0 : i32
    %scan3A_14 = arith.constant 128 : i32
    %scan3A_15 = arith.addi %scan3A_13, %scan3A_14 : i32
    %scan3A_16 = arith.constant 1 : i32
    scf.for %scan3A_18 = %scan3A_13 to %scan3A_15 step %scan3A_16  : i32 {
      %add3A_19 = arith.addi %mul3A_2, %scan3A_18 : i32
      %dma_wait3A_20 = arith.constant 0 : i32
      %dma_wait3A_21 = arith.constant 0 : i32
      %dma_wait3A_22 = arith.constant 0 : i32
      %dma_wait3A_23 = tpu.memref_slice %arg4[%dma_wait3A_21, %add3A_19, %dma_wait3A_22] : memref<50x4096x128xf32, #tpu.memory_space<hbm>> -> memref<50x1x128xf32, #tpu.memory_space<hbm>>
      %dma_wait3A_24 = tpu.memref_squeeze %dma_wait3A_23 : memref<50x1x128xf32, #tpu.memory_space<hbm>> -> memref<50x128xf32, #tpu.memory_space<hbm>>
      %dma_wait3A_25 = arith.constant 0 : i32
      %dma_wait3A_26 = arith.constant 0 : i32
      %dma_wait3A_27 = tpu.memref_slice %arg6[%dma_wait3A_20, %dma_wait3A_25, %dma_wait3A_26] : memref<2x600x128xf32, #tpu.memory_space<vmem_shared>> -> memref<1x50x128xf32, #tpu.memory_space<vmem_shared>>
      %dma_wait3A_28 = tpu.memref_squeeze %dma_wait3A_27 : memref<1x50x128xf32, #tpu.memory_space<vmem_shared>> -> memref<50x128xf32, #tpu.memory_space<vmem_shared>>
      tpu.wait_dma2 semaphore(%arg8 : memref<!tpu.dma_semaphore, #tpu.memory_space<semaphore_mem>>) src(%dma_wait3A_28 : memref<50x128xf32, #tpu.memory_space<vmem_shared>>) dst(%dma_wait3A_24 : memref<50x128xf32, #tpu.memory_space<hbm>>)
    }
    %scan3A_17 = arith.constant 128 : i32
    return
  }
}

</mosaic_0001>

<sc_bundles>
// kernel: _sc_window_gather.3.cloned.1.call-start
scs
__scs_entry_jumppad:
0x0: {  	(pc) =	sbr.rel $0x88, $3  }
0x1: {  	(tag) =	ssettag $0x0;
	lr =	simm.s32 $0x1  }
0x2: {  	[smem:$0x3F9F] =	sst lr;
	_ =	strace $0xD0000000  }
0x3: {  	_ = 	snop  }
0x4: {  	_ = 	snop  }
0x5: {  	_ = 	snop  }
0x6: {  	_ = 	snop  }
0x7: {  	_ = 	snop  }
__scs_overlays_trampoline_lowered:
0x8: {  	[smem:$0x3FAE] =	sst s0  }
0x9: {  	[smem:$0x3FAF] =	sst s1  }
0xa: {  	[smem:$0x3FB0] =	sst s2  }
0xb: {  	[smem:$0x3FB1] =	sst s3  }
0xc: {  	[smem:$0x3FB2] =	sst s4  }
0xd: {  	[smem:$0x3FB3] =	sst s5  }
0xe: {  	[smem:$0x3FB4] =	sst s6  }
0xf: {  	[smem:$0x3FB5] =	sst s7  }
0x10: {  	[smem:$0x3FB6] =	sst s8  }
0x11: {  	[smem:$0x3FB7] =	sst s9;
	s0 =	simm.s32 @!p0 $0x0  }
0x12: {  	s1 =	sld [smem:$0x3F9D];
	s0 =	simm.s32 @p0 $0x1  }
0x13: {  	[smem:$0x3FB8] =	sst s0;
	s0 =	simm.s32 @!p1 $0x0  }
0x14: {  	s2 =	sld [smem:$0x3F9C];
	s0 =	simm.s32 @p1 $0x1  }
0x15: {  	[smem:$0x3FB9] =	sst s0;
	s0 =	simm.s32 @!p2 $0x0  }
0x16: {  	s3 =	sld [smem:$0x3FDB];
	s0 =	simm.s32 @p2 $0x1  }
0x17: {  	s4 =	simm.s32 $0x1BF5;
	[smem:$0x3FBB] =	sst s0  }
0x18: {  	s0 =	sld [smem:$0x3F9E];
	_ =	swait.ge [sflag:s4], $0x0  }
0x19: {  	s7 =	sld [smem:$0x3F9F]  }
0x1a: {  	s8 =	sadd.s32 $0xFFFFE003, lr  }
0x1b: {  	s9 =	sadd.s32 $0xFFFFFEF7, lr;
	s5 =	simm.s32 $0xFFFFFFFF;
	p2 =	slt.u32 s8, $0xFFFFF086  }
0x1c: {  	p1 =	slt.u32 s9, $0xF7A;
	s5 =	simm.s32 @!p2 $0x0  }
0x1d: {  	s5 =	simm.s32 @p1 $0x1;
	p0 =	seq.s32 s7, s2  }
0x1e: {  	s7 =	smul.u32 @!p0 $0xF7A, s2;
	p2 =	seq.s32 @!p0 s5, $0x0  }
0x1f: {  	s9 =	smul.u32 $0xF7A, s1;
	s8 =	simm.s32 @!p0 $0x1BF5;
	p2 =	por !p2, p0  }
0x20: {  	[sflag:s8] =	ssyncset.s32 @!p0 $0xFFFFF086;
	s6 =	sadd.s32 @!p0 s3, s7;
	s7 =	simm.s32 @!p0 $0x108  }
0x21: {  	s3 =	sadd.s32 s3, s9;
	s6 =	sadd.s32 @!p0 $0x88, s6;
	s7 =	simm.s32 @p2 $0x1082  }
0x22: {  	[simem:s7], [sflag:s8] =	dma.local @!p0 [hbm:s6], $0xF7A  }
0x23: {  	s9 =	sor.u32 $0xD0000000, s2;
	s6 =	simm.s32 $0x108;
	_ =	swait.ge @!p0 [sflag:s8], $0x0  }
0x24: {  	s3 =	sadd.s32 $0x88, s3;
	s6 =	simm.s32 @!p1 $0x1082;
	[sflag:s4] =	ssyncset.s32 $0xFFFFF086  }
0x25: {  	[simem:s6], [sflag:s4] =	dma.local [hbm:s3], $0xF7A  }
0x26: {  	[smem:$0x3F9F] =	sst s1;
	(tag) =	ssettag s2;
	_ =	strace s9  }
0x27: {  	s1 =	sld [smem:$0x3FAF]  }
0x28: {  	s2 =	sld [smem:$0x3FB0]  }
0x29: {  	s4 =	sld [smem:$0x3FB2]  }
0x2a: {  	p0 =	seq.s32 s5, $0x0;
	s5 =	sld [smem:$0x3FB3]  }
0x2b: {  	s6 =	sld [smem:$0x3FB4]  }
0x2c: {  	s7 =	sld [smem:$0x3FB5]  }
0x2d: {  	s3 =	simm.s32 $0x108;
	s8 =	sld [smem:$0x3FB6]  }
0x2e: {  	s3 =	simm.s32 @!p0 $0x1082;
	s9 =	sld [smem:$0x3FB7]  }
0x2f: {  	lr =	sadd.s32 s0, s3;
	s0 =	sld [smem:$0x3FAE]  }
0x30: {  	s3 =	sld [smem:$0x3FB1]  }
0x31: {  	[smem:$0x3FBA] =	sst s10  }
0x32: {  	s10 =	sld [smem:$0x3FB8];
	_ =	sdelay $0x3  }
0x33: {  	p0 =	seq.s32 s10, $0x1;
	s10 =	sld [smem:$0x3FBA];
	_ =	sdelay $0x3  }
0x34: {  	[smem:$0x3FBA] =	sst s10  }
0x35: {  	s10 =	sld [smem:$0x3FB9];
	_ =	sdelay $0x3  }
0x36: {  	p1 =	seq.s32 s10, $0x1;
	s10 =	sld [smem:$0x3FBA];
	_ =	sdelay $0x3  }
0x37: {  	[smem:$0x3FBA] =	sst s10  }
0x38: {  	s10 =	sld [smem:$0x3FBB]  }
0x39: {  	_ = 	snop;
	(pc) =	sbr.ind lr, $3  }
0x3a: {  	_ = 	snop  }
0x3b: {  	_ = 	snop  }
0x3c: {  	p2 =	seq.s32 s10, $0x1;
	s10 =	sld [smem:$0x3FBA]  }
0x3d: {  	_ =	shalt  }
0x3e: {  	_ =	shalt  }
0x3f: {  	_ =	shalt  }
0x40: {  	_ =	shalt  }
0x41: {  	_ =	shalt  }
0x42: {  	_ =	shalt  }
0x43: {  	_ =	shalt  }
0x44: {  	_ =	shalt  }
0x45: {  	_ =	shalt  }
0x46: {  	_ =	shalt  }
0x47: {  	_ =	shalt  }
0x48: {  	_ =	shalt  }
0x49: {  	_ =	shalt  }
0x4a: {  	_ =	shalt  }
0x4b: {  	_ =	shalt  }
0x4c: {  	_ =	shalt  }
0x4d: {  	_ =	shalt  }
0x4e: {  	_ =	shalt  }
0x4f: {  	_ =	shalt  }
0x50: {  	_ =	shalt  }
0x51: {  	_ =	shalt  }
0x52: {  	_ =	shalt  }
0x53: {  	_ =	shalt  }
0x54: {  	_ =	shalt  }
0x55: {  	_ =	shalt  }
0x56: {  	_ =	shalt  }
0x57: {  	_ =	shalt  }
0x58: {  	_ =	shalt  }
0x59: {  	_ =	shalt  }
0x5a: {  	_ =	shalt  }
0x5b: {  	_ =	shalt  }
0x5c: {  	_ =	shalt  }
0x5d: {  	_ =	shalt  }
0x5e: {  	_ =	shalt  }
0x5f: {  	_ =	shalt  }
0x60: {  	_ =	shalt  }
0x61: {  	_ =	shalt  }
0x62: {  	_ =	shalt  }
0x63: {  	_ =	shalt  }
0x64: {  	_ =	shalt  }
0x65: {  	_ =	shalt  }
0x66: {  	_ =	shalt  }
0x67: {  	_ =	shalt  }
0x68: {  	_ =	shalt  }
0x69: {  	_ =	shalt  }
0x6a: {  	_ =	shalt  }
0x6b: {  	_ =	shalt  }
0x6c: {  	_ =	shalt  }
0x6d: {  	_ =	shalt  }
0x6e: {  	_ =	shalt  }
0x6f: {  	_ =	shalt  }
0x70: {  	_ =	shalt  }
0x71: {  	_ =	shalt  }
0x72: {  	_ =	shalt  }
0x73: {  	_ =	shalt  }
0x74: {  	_ =	shalt  }
0x75: {  	_ =	shalt  }
0x76: {  	_ =	shalt  }
0x77: {  	_ =	shalt  }
0x78: {  	_ =	shalt  }
0x79: {  	_ =	shalt  }
0x7a: {  	_ =	shalt  }
0x7b: {  	_ =	shalt  }
0x7c: {  	_ =	shalt  }
0x7d: {  	_ =	shalt  }
0x7e: {  	_ =	shalt  }
0x7f: {  	_ =	shalt  }
0x80: {  	_ =	shalt  }
0x81: {  	_ =	shalt  }
0x82: {  	_ =	shalt  }
0x83: {  	_ =	shalt  }
0x84: {  	_ =	shalt  }
0x85: {  	_ =	shalt  }
0x86: {  	_ =	shalt  }
0x87: {  	_ =	shalt  }
.Lfunc_end0:
.L_simem_size_0:
called_computation_lowered:
.L_overlay_start_0:
0x88: {  	s2 =	sld [smem:$0x3FD9]  }
0x89: {  	s3 =	sld [smem:$0x3FFE];
	_ =	sdelay $0x1  }
0x8a: {  	s1 =	srdreg.scid  }
0x8b: {  	s0 =	sand.u32 $0x1, s1  }
0x8c: {  	s18 =	sshll.u32 s0, $0xA;
	s2 =	sadd.s32 s3, s2  }
0x8d: {  	s2 =	sadd.s32 s2, s18  }
0x8e: {  	[smem:$0x3FC6] =	sst s2  }
0x8f: {  	_ = 	snop  }
0x90: {  	s2 =	sld [smem:$0x3FC9]  }
0x91: {  	s19 =	sld [smem:$0x3FC8]  }
0x92: {  	s4 =	sld [smem:$0x3FD0];
	(tm) =	ssettm $0x1  }
0x93: {  	s5 =	sld [smem:$0x3FFB];
	_ =	sdelay $0x3  }
0x94: {  	_ =	strace s5  }
0x95: {  	s5 =	sld [smem:$0x3FFC];
	_ =	sdelay $0x3  }
0x96: {  	_ =	strace s5  }
0x97: {  	s5 =	sld [smem:$0x3FFD];
	_ =	sdelay $0x3  }
0x98: {  	_ =	strace s5  }
0x99: {  	_ =	strace $0x8FFFFFFF  }
0x9a: {  	s20 =	sld [smem:$0x3FDB];
	_ =	sdelay $0x1  }
0x9b: {  	s6 =	simm.s32 $_scs_section_size  }
0x9c: {  	s7 =	simm.s32 $_size__tile_overlayer_lowered;
	s8 =	simm.s32 $_tile_overlayer_lowered  }
0x9d: {  	s23 =	simm.s32 $0x1BFF;
	s22 =	sshll.u32 s8, $0x1;
	s5 =	sadd.s32 s6, s20  }
0x9e: {  	s9 =	simm.s32 $0x0;
	s21 =	sshll.u32 s7, $0x1;
	s7 =	sadd.s32 s22, s5  }
0x9f: {  	[timem:s9], [sflag:s23] =	dma.local [hbm:s7], s21  }
0xa0: {  	_ =	swait.ge [sflag:s23], s21  }
0xa1: {  	s6 =	ssub.s32 $0x0, s21;
	[sflag:s23] =	ssyncset.done $0x0  }
0xa2: {  	[sflag:s23] =	ssyncadd.s32 s6;
	_ =	sdelay $0x1  }
0xa3: {  	s24 =	simm.s32 $0x1B8B  }
0xa4: {  	_ =	swait.ge [sflag:s24], $0x1  }
0xa5: {  	[sflag:s24] =	ssyncset.done $0x0  }
0xa6: {  	s25 =	simm.s32 $0x1B8E;
	[sflag:s24] =	ssyncadd.s32 $0xFFFFFFFF  }
0xa7: {  	s26 =	simm.s32 $execute0_lowered;
	[smem:$0x3FD2] =	sst s25  }
0xa8: {  	s6 =	sshll.u32 s26, $0x1;
	_ =	strace $0x80000046;
	[dreg:$0x1] =	wrdreg $0xFFFFFFFF  }
0xa9: {  	s28 =	simm.s32 $_size_execute0_lowered;
	s5 =	sadd.s32 s5, s6;
	[dreg:$0x0] =	wrdreg $0x0  }
0xaa: {  	s6 =	sshll.u32 s28, $0x1;
	[dreg:$0x2] =	wrdreg s5  }
0xab: {  	[dreg:$0x3] =	wrdreg s6  }
0xac: {  	[dreg:$0x4] =	wrdreg $0xC0  }
0xad: {  	_ =	task [dreg:s9], $0x5FFFF  }
0xae: {  	[dreg:$0x1] =	wrdreg $0xFFFFFFFF  }
0xaf: {  	[dreg:$0x0] =	wrdreg $0x60  }
0xb0: {  	[dreg:$0x2] =	wrdreg s2  }
0xb1: {  	[dreg:$0x3] =	wrdreg s19  }
0xb2: {  	[dreg:$0x4] =	wrdreg s4  }
0xb3: {  	[dreg:$0x5] =	wrdreg $0x800  }
0xb4: {  	[dreg:$0x6] =	wrdreg $0x9  }
0xb5: {  	_ =	task.clear_ibuf [dreg:s9], $0x7FFFF;
	_ =	strace $0x90000046  }
0xb6: {  	s29 =	simm.s32 $0x9;
	_ =	strace $0x80000048  }
0xb7: {  	_ =	swait.ge [sflag:s29], $0x1  }
0xb8: {  	[sflag:s29] =	ssyncadd.s32 $0xFFFFFFFF  }
0xb9: {  	_ =	strace $0x90000048  }
0xba: {  	_ =	sfence  }
0xbb: {  	s30 =	sld [smem:$0x0];
	_ =	sdelay $0x2  }
0xbc: {  	s31 =	sshll.u32 s1, $0xD;
	s1 =	sshrl.u32 s1, $0x2  }
0xbd: {  	s3 =	sand.u32 $0x4000, s31;
	s1 =	sadd.s32 s1, s30  }
0xbe: {  	s0 =	sor.u32 s3, s0;
	s1 =	sshll.u32 s1, $0x11  }
0xbf: {  	s0 =	sor.u32 s1, s0  }
0xc0: {  	s0 =	sadd.s32 $0x8F2B, s0  }
0xc1: {  	[sflag:s0] =	ssyncadd.remote.s32 $0x1  }
0xc2: {  	_ =	sfence.sel $0xFFFF  }
0xc3: {  	[dreg:$0x0] =	wrdreg $0xFFFFFFFF;
	(pc) =	sbr.abs _section_cstart, $3  }
0xc4: {  	[dreg:$0x1] =	wrdreg $0xFFFFFFFF  }
0xc5: {  	_ =	task.clear_ibuf [dreg:s9], $0x2FFFF;
	_ =	strace $0x9FFFFFFF  }
0xc6: {  	(tm) =	ssettm $0x7FFFFFFF  }
0xc7: {  	_ =	shalt  }
tec
execute0_lowered:
.L_overlay_start_1:
0x0: {  	(tag) =	ssettag $0x1  }
0x1: {  	s0 =	rddreg [dreg:$0x1]  }
0x2: {  	s1 =	rddreg [dreg:$0x2]  }
0x3: {  	s30 =	rddreg [dreg:$0x3];
	s2 =	simm.s32 $0x0;
	s3 =	srdreg.scid  }
0x4: {  	s4 =	stileid.u32;
	[smem:$0x7FF] =	sst s2;
	s3 =	sand.u32 $0x1, s3  }
0x5: {  	s6 =	sshll.u32 s4, $0x8;
	s25 =	sshll.u32 s4, $0xC;
	s7 =	sshll.u32 s3, $0x7  }
0x6: {  	p0 =	sne.s32 s4, $0x0;
	s5 =	ssub.s32 $0x2, s3;
	s6 =	sor.u32 s7, s6  }
0x7: {  	_ =	strace $0x80000047;
	s8 =	sshrl.u32 s5, $0x1;
	s6 =	sshrl.u32 s6, $0x3  }
0x8: {  	s26 =	sadd.s32 s25, s1;
	s5 =	ssub.s32 s5, s8;
	s0 =	sadd.s32 s0, s6  }
0x9: {  	s28 =	sshll.u32 s3, $0xB;
	s29 =	smax.u32 s5, $0x1;
	[dreg:$0xf] =	wrdreg s0  }
0xa: {  	s31 =	sshll.u32 s4, $0x6;
	[dreg:$0x10] =	wrdreg s29;
	s0 =	sadd.s32 s28, s26  }
0xb: {  	s4 =	simm.s32 $0x1;
	[dreg:$0x5] =	wrdreg s0;
	s0 =	sshrl.u32 @!p0 s30, $0x3  }
0xc: {  	s2 =	simm.s32 $0x0;
	s8 =	sor.u32 $0x1C02, s31;
	[dreg:$0x11] =	wrdreg s0  }
.LBB2_1:
0xd: {  	[dreg:$0x12] =	wrdreg s2  }
0xe: {  	s0 =	rddreg [dreg:$0xf]  }
0xf: {  	s29 =	simm.s32 $0x0;
	s1 =	rddreg [dreg:$0x0]  }
0x10: {  	[tilespmem:s29], [sflag:$0x1] =	stream.linear.gather [hbm4b:s0+s29], $0x80, $0x38;
	[tilespmem:$0x2600] =	vst v63  }
0x11: {  	s3 =	rddreg [dreg:$0x11];
	s0 =	simm.s32 @!p0 $0x1C02  }
0x12: {  	[spmem:s3], [sflag:s0] =	dma.local @!p0 [hbm:s1], $0x4B00  }
0x13: {  	s0 =	simm.s32 @!p0 $0x2  }
0x14: {  	_ =	swait.ge @!p0 [sflag:s0], $0x4B00  }
0x15: {  	[sflag:s0] =	ssyncset.done @!p0 $0x0  }
0x16: {  	[sflag:s0] =	ssyncadd.s32 @!p0 $0xFFFFB500  }
0x17: {  	_ =	swait.ge [sflag:s4], $0x80  }
0x18: {  	[sflag:s4] =	ssyncset.done $0x0  }
0x19: {  	[sflag:s4] =	ssyncadd.s32 $0xFFFFFF80  }
0x1a: {  	[bflag:$0x0] =	sbarrier.arrive $0xFFFF  }
0x1b: {  	v1 =	vld [tilespmem:s29+$0x0];
	_ =	sdelay $0x4  }
0x1c: {  	v0 =	vshrl.u32 v1, $0x1  }
0x1d: {  	v0 =	vshll.u32 v0, $0x9  }
0x1e: {  	v0 =	vshra.s32 v0, $0x2  }
0x1f: {  	v2 =	vshrl.u32 v1, $0x1F;
	(v2sf) =	vpush v0, $0xF  }
0x20: {  	v2 =	vadd.s32 v2, v1;
	(v2sf) =	vpush v0, $0xE  }
0x21: {  	v2 =	vshrl.u32 v2, $0x1;
	(v2sf) =	vpush v0, $0xB  }
0x22: {  	v2 =	vshll.u32 v2, $0x1;
	(v2sf) =	vpush v0, $0xD  }
0x23: {  	v1 =	vsub.s32 v1, v2;
	(v2sf) =	vpush v0, $0x9  }
0x24: {  	v1 =	vmul.u32 $0x4B000, v1;
	(v2sf) =	vpush v0, $0xA  }
0x25: {  	(v2sf) =	vpush v0, $0xC  }
0x26: {  	v1 =	vshra.s32 v1, $0x2;
	(v2sf) =	vpush v0, $0x2  }
0x27: {  	v1 =	vadd.s32 s30, v1;
	(v2sf) =	vpush v0, $0x7  }
0x28: {  	(v2sf) =	vpush v1, $0xD  }
0x29: {  	(v2sf) =	vpush v1, $0xE  }
0x2a: {  	(v2sf) =	vpush v0, $0x1  }
0x2b: {  	(v2sf) =	vpush v1, $0x6  }
0x2c: {  	(v2sf) =	vpush v1, $0xC  }
0x2d: {  	(v2sf) =	vpush v0, $0x0  }
0x2e: {  	(v2sf) =	vpush v1, $0xA;
	s16 =	spop (v2sf)  }
0x2f: {  	(v2sf) =	vpush v1, $0x8;
	s7 =	spop (v2sf)  }
0x30: {  	(v2sf) =	vpush v0, $0x6;
	s17 =	spop (v2sf)  }
0x31: {  	(v2sf) =	vpush v0, $0x3;
	s28 =	spop (v2sf)  }
0x32: {  	(v2sf) =	vpush v0, $0x4;
	s31 =	spop (v2sf)  }
0x33: {  	(v2sf) =	vpush v0, $0x5;
	s23 =	spop (v2sf)  }
0x34: {  	(v2sf) =	vpush v1, $0x5;
	s24 =	spop (v2sf)  }
0x35: {  	s22 =	spop (v2sf);
	(v2sf) =	vpush v1, $0x4  }
0x36: {  	s15 =	simm.s32 $0x100;
	(v2sf) =	vpush v1, $0x3;
	s20 =	spop (v2sf)  }
0x37: {  	s21 =	simm.s32 $0x0;
	s19 =	simm.s32 $0x0;
	(v2sf) =	vpush v1, $0x2;
	s25 =	spop (v2sf)  }
.LBB2_2:
0x38: {  	s1 =	spop (v2sf);
	s3 =	smov.u32 s15  }
0x39: {  	s4 =	rddreg [dreg:$0x5];
	s11 =	sadd.s32 s28, s25;
	s5 =	spop (v2sf)  }
0x3a: {  	s1 =	sadd.s32 s7, s1;
	s29 =	sadd.s32 s19, s4;
	s18 =	smov.u32 s3  }
0x3b: {  	(v2sf) =	vpush v1, $0x1;
	s6 =	spop (v2sf);
	s1 =	sshrl.u32 s1, $0x3;
	[dreg:$0x8] =	wrdreg s18  }
0x3c: {  	s19 =	sadd.s32 $0xC0, s29;
	s0 =	spop (v2sf);
	[dreg:$0x7] =	wrdreg s1  }
0x3d: {  	(v2sf) =	vpush v1, $0x0;
	s26 =	sadd.s32 $0x50, s29;
	[dreg:$0x9] =	wrdreg s19;
	s12 =	spop (v2sf)  }
0x3e: {  	(v2sf) =	vpush v1, $0x7;
	s7 =	sadd.s32 $0xD0, s29;
	[dreg:$0xe] =	wrdreg s26;
	s13 =	spop (v2sf)  }
0x3f: {  	s3 =	smov.u32 s30;
	(v2sf) =	vpush v1, $0x9;
	[dreg:$0xb] =	wrdreg s7;
	s2 =	spop (v2sf)  }
0x40: {  	s24 =	sadd.s32 s24, s0;
	s0 =	sshrl.u32 s11, $0x3;
	(v2sf) =	vpush v0, $0x8;
	s14 =	spop (v2sf)  }
0x41: {  	s9 =	sadd.s32 $0xA0, s29;
	[dreg:$0x6] =	wrdreg s0;
	s11 =	spop (v2sf);
	(v2sf) =	vpush v1, $0xF  }
0x42: {  	s0 =	sadd.s32 s23, s13;
	s23 =	sshrl.u32 s24, $0x3;
	s24 =	spop (v2sf);
	(v2sf) =	vpush v1, $0xB  }
0x43: {  	s25 =	sadd.s32 $0x60, s29;
	s10 =	sadd.s32 $0xF0, s29;
	[dreg:$0xd] =	wrdreg s9  }
0x44: {  	s4 =	sadd.s32 $0x80, s29;
	s28 =	sadd.s32 $0x30, s29;
	[dreg:$0xc] =	wrdreg s10  }
0x45: {  	s10 =	sadd.s32 $0x10, s29;
	[dreg:$0xa] =	wrdreg s23;
	s13 =	spop (v2sf)  }
0x46: {  	s23 =	sadd.s32 $0xB0, s29;
	s1 =	sadd.s32 s14, s6;
	s14 =	spop (v2sf)  }
0x47: {  	s6 =	sadd.s32 $0x20, s29;
	s1 =	sshrl.u32 s1, $0x3;
	s18 =	spop (v2sf)  }
0x48: {  	s13 =	sadd.s32 s13, s14;
	s7 =	sadd.s32 s24, s18;
	s26 =	spop (v2sf)  }
0x49: {  	s13 =	sshrl.u32 s13, $0x3;
	s9 =	spop (v2sf);
	s11 =	sadd.s32 s11, s26  }
0x4a: {  	s26 =	sadd.s32 $0x40, s29;
	s7 =	sshrl.u32 s7, $0x3;
	s18 =	spop (v2sf)  }
0x4b: {  	s9 =	sadd.s32 s22, s9;
	s22 =	sadd.s32 $0x70, s29;
	s11 =	sshrl.u32 s11, $0x3  }
0x4c: {  	s30 =	spop (v2sf);
	s5 =	sadd.s32 s5, s18;
	s9 =	sshrl.u32 s9, $0x3  }
0x4d: {  	s12 =	sadd.s32 s12, s30;
	s19 =	spop (v2sf);
	s5 =	sshrl.u32 s5, $0x3  }
0x4e: {  	s18 =	sadd.s32 s20, s19;
	s19 =	spop (v2sf);
	s12 =	sshrl.u32 s12, $0x3  }
0x4f: {  	s18 =	sshrl.u32 s18, $0x3;
	s20 =	sadd.s32 s31, s19;
	s30 =	spop (v2sf)  }
0x50: {  	s31 =	simm.s32 $0x10;
	s20 =	sshrl.u32 s20, $0x3;
	s19 =	spop (v2sf)  }
0x51: {  	s2 =	sadd.s32 s30, s2;
	s14 =	sadd.s32 s16, s19;
	s30 =	spop (v2sf)  }
0x52: {  	s19 =	simm.s32 $0x10000;
	s30 =	sadd.s32 s17, s30;
	s17 =	simm.s32 $0x1  }
0x53: {  	[hbm:s29@s19], [sflag:s8] =	dma.strided [spmem:s12@s31], $0x320, s17, $0x10   }
0x54: {  	[hbm:s10@s19], [sflag:s8] =	dma.strided [spmem:s5@s31], $0x320, s17, $0x10   }
0x55: {  	[hbm:s6@s19], [sflag:s8] =	dma.strided [spmem:s9@s31], $0x320, s17, $0x10   }
0x56: {  	[hbm:s28@s19], [sflag:s8] =	dma.strided [spmem:s11@s31], $0x320, s17, $0x10   }
0x57: {  	[hbm:s26@s19], [sflag:s8] =	dma.strided [spmem:s7@s31], $0x320, s17, $0x10   }
0x58: {  	s2 =	sshrl.u32 s2, $0x3;
	s16 =	sadd.s32 $0x90, s29;
	s12 =	rddreg [dreg:$0xe]  }
0x59: {  	[hbm:s12@s19], [sflag:s8] =	dma.strided [spmem:s13@s31], $0x320, s17, $0x10   }
0x5a: {  	[hbm:s25@s19], [sflag:s8] =	dma.strided [spmem:s1@s31], $0x320, s17, $0x10   }
0x5b: {  	[hbm:s22@s19], [sflag:s8] =	dma.strided [spmem:s18@s31], $0x320, s17, $0x10   }
0x5c: {  	[hbm:s4@s19], [sflag:s8] =	dma.strided [spmem:s2@s31], $0x320, s17, $0x10   }
0x5d: {  	[hbm:s16@s19], [sflag:s8] =	dma.strided [spmem:s20@s31], $0x320, s17, $0x10   }
0x5e: {  	s0 =	sshrl.u32 s0, $0x3;
	s30 =	sshrl.u32 s30, $0x3;
	s25 =	rddreg [dreg:$0xd]  }
0x5f: {  	[hbm:s25@s19], [sflag:s8] =	dma.strided [spmem:s0@s31], $0x320, s17, $0x10   }
0x60: {  	[hbm:s23@s19], [sflag:s8] =	dma.strided [spmem:s30@s31], $0x320, s17, $0x10   }
0x61: {  	s26 =	rddreg [dreg:$0x9]  }
0x62: {  	s24 =	sadd.s32 $0xE0, s29;
	s29 =	rddreg [dreg:$0xa]  }
0x63: {  	[hbm:s26@s19], [sflag:s8] =	dma.strided [spmem:s29@s31], $0x320, s17, $0x10   }
0x64: {  	s0 =	rddreg [dreg:$0x6]  }
0x65: {  	s1 =	rddreg [dreg:$0xb]  }
0x66: {  	[hbm:s1@s19], [sflag:s8] =	dma.strided [spmem:s0@s31], $0x320, s17, $0x10   }
0x67: {  	s0 =	rddreg [dreg:$0x7]  }
0x68: {  	[hbm:s24@s19], [sflag:s8] =	dma.strided [spmem:s0@s31], $0x320, s17, $0x10   }
0x69: {  	s21 =	sadd.s32 $0x10, s21;
	s14 =	sshrl.u32 s14, $0x3;
	s0 =	rddreg [dreg:$0xc]  }
0x6a: {  	[hbm:s0@s19], [sflag:s8] =	dma.strided [spmem:s14@s31], $0x320, s17, $0x10   }
0x6b: {  	v1 =	vld [tilespmem:s21+$0x0];
	_ =	sdelay $0x4  }
0x6c: {  	v0 =	vshrl.u32 v1, $0x1F;
	v2 =	vshrl.u32 v1, $0x1  }
0x6d: {  	v0 =	vadd.s32 v0, v1;
	v2 =	vshll.u32 v2, $0x9  }
0x6e: {  	v3 =	vshrl.u32 v0, $0x1;
	v0 =	vshra.s32 v2, $0x2  }
0x6f: {  	(v2sf) =	vpush v0, $0xF  }
0x70: {  	(v2sf) =	vpush v0, $0xE  }
0x71: {  	(v2sf) =	vpush v0, $0xB  }
0x72: {  	v2 =	vshll.u32 v3, $0x1;
	(v2sf) =	vpush v0, $0xD  }
0x73: {  	v1 =	vsub.s32 v1, v2;
	(v2sf) =	vpush v0, $0x9  }
0x74: {  	v1 =	vmul.u32 $0x4B000, v1;
	(v2sf) =	vpush v0, $0xA  }
0x75: {  	(v2sf) =	vpush v0, $0xC  }
0x76: {  	v1 =	vshra.s32 v1, $0x2;
	(v2sf) =	vpush v0, $0x2  }
0x77: {  	v1 =	vadd.s32 s3, v1;
	(v2sf) =	vpush v0, $0x7  }
0x78: {  	(v2sf) =	vpush v1, $0xD  }
0x79: {  	(v2sf) =	vpush v1, $0xE  }
0x7a: {  	(v2sf) =	vpush v0, $0x1  }
0x7b: {  	(v2sf) =	vpush v1, $0x6  }
0x7c: {  	(v2sf) =	vpush v1, $0xC  }
0x7d: {  	(v2sf) =	vpush v0, $0x0  }
0x7e: {  	(v2sf) =	vpush v1, $0xA;
	s16 =	spop (v2sf)  }
0x7f: {  	(v2sf) =	vpush v1, $0x8;
	s7 =	spop (v2sf)  }
0x80: {  	(v2sf) =	vpush v0, $0x6;
	s17 =	spop (v2sf)  }
0x81: {  	(v2sf) =	vpush v0, $0x3;
	s28 =	spop (v2sf)  }
0x82: {  	p1 =	sne.s32 s15, $0x700;
	(v2sf) =	vpush v0, $0x4;
	s31 =	spop (v2sf)  }
.Ltmp0:
0x83: {  	(v2sf) =	vpush v0, $0x5;
	s23 =	spop (v2sf);
	(pc) =	sbr.rel @p1 .LBB2_2-.Ltmp0, $4  }
0x84: {  	(v2sf) =	vpush v1, $0x5;
	s24 =	spop (v2sf)  }
0x85: {  	s22 =	spop (v2sf);
	(v2sf) =	vpush v1, $0x4  }
0x86: {  	s15 =	sadd.s32 $0x100, s15;
	(v2sf) =	vpush v1, $0x3;
	s20 =	spop (v2sf)  }
0x87: {  	s30 =	smov.u32 s3;
	s19 =	rddreg [dreg:$0x8];
	(v2sf) =	vpush v1, $0x2;
	s25 =	spop (v2sf)  }
0x88: {  	(v2sf) =	vpush v1, $0x1;
	s0 =	spop (v2sf)  }
0x89: {  	(v2sf) =	vpush v1, $0x0;
	s2 =	spop (v2sf)  }
0x8a: {  	s3 =	spop (v2sf);
	(v2sf) =	vpush v1, $0x7  }
0x8b: {  	(v2sf) =	vpush v1, $0x9;
	s4 =	spop (v2sf)  }
0x8c: {  	[dreg:$0x14] =	wrdreg s4;
	s4 =	spop (v2sf);
	(v2sf) =	vpush v0, $0x8  }
0x8d: {  	s5 =	spop (v2sf);
	(v2sf) =	vpush v1, $0xF  }
0x8e: {  	[dreg:$0x13] =	wrdreg s0;
	s0 =	spop (v2sf);
	(v2sf) =	vpush v1, $0xB  }
0x8f: {  	[dreg:$0x17] =	wrdreg s31;
	s31 =	spop (v2sf)  }
0x90: {  	s9 =	spop (v2sf)  }
0x91: {  	s10 =	spop (v2sf)  }
0x92: {  	s11 =	spop (v2sf)  }
0x93: {  	s12 =	spop (v2sf)  }
0x94: {  	s13 =	spop (v2sf)  }
0x95: {  	s14 =	spop (v2sf)  }
0x96: {  	[dreg:$0x15] =	wrdreg s16;
	s16 =	spop (v2sf)  }
0x97: {  	s6 =	spop (v2sf)  }
0x98: {  	s18 =	spop (v2sf)  }
0x99: {  	s15 =	smov.u32 s17;
	s1 =	rddreg [dreg:$0x5];
	s26 =	spop (v2sf)  }
0x9a: {  	s1 =	sadd.s32 s19, s1;
	s19 =	simm.s32 $0x10000;
	s21 =	spop (v2sf)  }
0x9b: {  	[dreg:$0x16] =	wrdreg s5;
	s5 =	simm.s32 $0x1;
	s29 =	spop (v2sf)  }
0x9c: {  	s2 =	sadd.s32 s2, s6;
	s4 =	sadd.s32 s4, s18;
	s18 =	spop (v2sf)  }
0x9d: {  	s6 =	simm.s32 $0x10;
	s4 =	sshrl.u32 s4, $0x3;
	s17 =	spop (v2sf)  }
0x9e: {  	[hbm:s1@s19], [sflag:s8] =	dma.strided [spmem:s4@s6], $0x320, s5, $0x10   }
0x9f: {  	s16 =	sadd.s32 s22, s16;
	s2 =	sshrl.u32 s2, $0x3;
	s4 =	sadd.s32 $0x10, s1  }
0xa0: {  	[hbm:s4@s19], [sflag:s8] =	dma.strided [spmem:s2@s6], $0x320, s5, $0x10   }
0xa1: {  	s22 =	sadd.s32 $0x20, s1;
	s2 =	sshrl.u32 s16, $0x3;
	s4 =	sadd.s32 s9, s14  }
0xa2: {  	[hbm:s22@s19], [sflag:s8] =	dma.strided [spmem:s2@s6], $0x320, s5, $0x10   }
0xa3: {  	s10 =	sadd.s32 s10, s13;
	s9 =	sadd.s32 $0x30, s1;
	s2 =	sshrl.u32 s4, $0x3  }
0xa4: {  	[hbm:s9@s19], [sflag:s8] =	dma.strided [spmem:s2@s6], $0x320, s5, $0x10   }
0xa5: {  	s13 =	sadd.s32 $0x40, s1;
	s14 =	sadd.s32 s11, s12;
	s2 =	sshrl.u32 s10, $0x3  }
0xa6: {  	[hbm:s13@s19], [sflag:s8] =	dma.strided [spmem:s2@s6], $0x320, s5, $0x10   }
0xa7: {  	s16 =	sadd.s32 $0x50, s1;
	s22 =	sadd.s32 s31, s3;
	s2 =	sshrl.u32 s14, $0x3  }
0xa8: {  	[hbm:s16@s19], [sflag:s8] =	dma.strided [spmem:s2@s6], $0x320, s5, $0x10   }
0xa9: {  	s31 =	sadd.s32 $0x60, s1;
	s3 =	sadd.s32 s20, s26;
	s2 =	sshrl.u32 s22, $0x3  }
0xaa: {  	[hbm:s31@s19], [sflag:s8] =	dma.strided [spmem:s2@s6], $0x320, s5, $0x10   }
0xab: {  	s4 =	sadd.s32 $0x70, s1;
	s9 =	sadd.s32 s29, s0;
	s2 =	sshrl.u32 s3, $0x3  }
0xac: {  	[hbm:s4@s19], [sflag:s8] =	dma.strided [spmem:s2@s6], $0x320, s5, $0x10   }
0xad: {  	s10 =	sadd.s32 $0x80, s1;
	s2 =	sshrl.u32 s9, $0x3  }
0xae: {  	[hbm:s10@s19], [sflag:s8] =	dma.strided [spmem:s2@s6], $0x320, s5, $0x10   }
0xaf: {  	s11 =	rddreg [dreg:$0x17]  }
0xb0: {  	s12 =	sadd.s32 s11, s21  }
0xb1: {  	s13 =	sadd.s32 $0x90, s1;
	s2 =	sshrl.u32 s12, $0x3  }
0xb2: {  	[hbm:s13@s19], [sflag:s8] =	dma.strided [spmem:s2@s6], $0x320, s5, $0x10   }
0xb3: {  	s14 =	rddreg [dreg:$0x16]  }
0xb4: {  	s16 =	sadd.s32 s23, s14  }
0xb5: {  	s20 =	sadd.s32 $0xA0, s1;
	s21 =	sadd.s32 s15, s17;
	s2 =	sshrl.u32 s16, $0x3  }
0xb6: {  	[hbm:s20@s19], [sflag:s8] =	dma.strided [spmem:s2@s6], $0x320, s5, $0x10   }
0xb7: {  	s22 =	sadd.s32 $0xB0, s1;
	s2 =	sshrl.u32 s21, $0x3  }
0xb8: {  	[hbm:s22@s19], [sflag:s8] =	dma.strided [spmem:s2@s6], $0x320, s5, $0x10   }
0xb9: {  	s23 =	rddreg [dreg:$0x14]  }
0xba: {  	s0 =	sadd.s32 s24, s23  }
0xbb: {  	s28 =	sadd.s32 s28, s25;
	s26 =	sadd.s32 $0xC0, s1;
	s0 =	sshrl.u32 s0, $0x3  }
0xbc: {  	[hbm:s26@s19], [sflag:s8] =	dma.strided [spmem:s0@s6], $0x320, s5, $0x10   }
0xbd: {  	s29 =	sadd.s32 $0xD0, s1;
	s0 =	sshrl.u32 s28, $0x3  }
0xbe: {  	[hbm:s29@s19], [sflag:s8] =	dma.strided [spmem:s0@s6], $0x320, s5, $0x10   }
0xbf: {  	s0 =	rddreg [dreg:$0x13]  }
0xc0: {  	s0 =	sadd.s32 s7, s0  }
0xc1: {  	s31 =	sadd.s32 $0xE0, s1;
	s0 =	sshrl.u32 s0, $0x3  }
0xc2: {  	[hbm:s31@s19], [sflag:s8] =	dma.strided [spmem:s0@s6], $0x320, s5, $0x10   }
0xc3: {  	s0 =	rddreg [dreg:$0x15]  }
0xc4: {  	s0 =	sadd.s32 s0, s18  }
0xc5: {  	s1 =	sadd.s32 $0xF0, s1;
	s0 =	sshrl.u32 s0, $0x3  }
0xc6: {  	[hbm:s1@s19], [sflag:s8] =	dma.strided [spmem:s0@s6], $0x320, s5, $0x10   }
0xc7: {  	s1 =	simm.s32 $0x2  }
0xc8: {  	_ =	swait.ge [sflag:s1], $0x320  }
0xc9: {  	s4 =	simm.s32 $0x1;
	s0 =	simm.s32 $0x7F;
	[sflag:s1] =	ssyncset.done $0x0  }
.LBB2_4:
0xca: {  	p1 =	sne.s32 s0, $0x1;
	s0 =	sadd.s32 $0xFFFFFFFF, s0;
	[sflag:s1] =	ssyncadd.s32 $0xFFFFFCE0  }
.Ltmp1:
0xcb: {  	(pc) =	sbr.rel @p1 .LBB2_4-.Ltmp1, $3  }
0xcc: {  	_ =	sdelay $0x1  }
0xcd: {  	_ =	swait.ge [sflag:s1], $0x320  }
0xce: {  	[sflag:s1] =	ssyncset.done $0x0  }
0xcf: {  	s2 =	rddreg [dreg:$0x12]  }
0xd0: {  	s0 =	rddreg [dreg:$0x10];
	s2 =	sadd.s32 $0x1, s2  }
0xd1: {  	p1 =	sne.s32 s2, s0  }
.Ltmp2:
0xd2: {  	_ = 	snop;
	(pc) =	sbr.rel @p1 .LBB2_1-.Ltmp2, $2  }
0xd3: {  	_ =	sdelay $0x2  }
0xd4: {  	[sflag:s1] =	ssyncadd.s32 $0xFFFFFCE0  }
0xd5: {  	_ =	sfence.sel $0x180000  }
0xd6: {  	[bflag:$0x0] =	sbarrier.arrive $0xFFFF  }
0xd7: {  	_ =	strace $0x90000047  }
0xd8: {  	[bflag:$0x2] =	sbarrier.arrive $0xFFFF  }
0xd9: {  	s0 =	rddreg [dreg:$0x4]  }
0xda: {  	s0 =	sadd.s32 @!p0 $0x100000, s0  }
0xdb: {  	[sflag:s0] =	ssyncadd.tile.s32 @!p0 $0x1;
	_ =	shalt  }
.Lfunc_end2:
_tile_overlayer_lowered:
.L_overlay_start_2:
0xdc: {  	(tag) =	ssettag $0x2  }
0xdd: {  	s0 =	rddreg [dreg:$0x0];
	s2 =	stileid.u32  }
0xde: {  	s1 =	rddreg [dreg:$0x1];
	p0 =	sne.s32 s2, $0x0  }
0xdf: {  	s3 =	rddreg [dreg:$0x2];
	[bflag:$0x3] =	sbarrier.arrive $0xFFFF;
	s2 =	simm.s32 @!p0 $0x1C03  }
0xe0: {  	[timem:s3], [sflag:s2] =	dma.local @!p0 [hbm:s0], s1  }
0xe1: {  	s0 =	simm.s32 @!p0 $0x3  }
0xe2: {  	_ =	swait.ge @!p0 [sflag:s0], s1  }
0xe3: {  	s1 =	ssub.s32 @!p0 $0x0, s1;
	[sflag:s0] =	ssyncset.done @!p0 $0x0  }
0xe4: {  	[sflag:s0] =	ssyncadd.s32 @!p0 s1  }
0xe5: {  	[bflag:$0x3] =	sbarrier.arrive $0xFFFF  }
0xe6: {  	_ =	shalt  }

</sc_bundles>
